<compile_context>
chip_gen: v7x
topology: tpu7x:2x2x1
jax: 0.10.2.dev20260603
libtpu: 0.0.44.dev20260713+nightly
codegen_flags: <defaults>
</compile_context>

<pallas_src>
import functools

import jax
import jax.numpy as jnp
from jax import lax
from jax.experimental import pallas as pl
from jax.experimental.pallas import tpu as pltpu
from jax.experimental.pallas import tpu_sc as plsc

_L = 16
_S = 4096
_ROW = 50
_M = 1000000

_mesh = plsc.VectorSubcoreMesh(core_axis_name="c", subcore_axis_name="s")


def _log_f32(x):
    xi = plsc.bitcast(x, jnp.int32)
    e = (xi >> 23) - 127
    m = plsc.bitcast((xi & 0x7FFFFF) | (127 << 23), jnp.float32)
    t = (m - 1.0) / (m + 1.0)
    t2 = t * t
    poly = 1.0 + t2 * (1.0 / 3.0 + t2 * (1.0 / 5.0 + t2 * (1.0 / 7.0 + t2 / 9.0)))
    ln_m = 2.0 * t * poly
    return e.astype(jnp.float32) * 0.6931471805599453 + ln_m


@functools.partial(
    pl.kernel,
    out_type=jax.ShapeDtypeStruct((_L,), jnp.int32),
    mesh=_mesh,
    compiler_params=pltpu.CompilerParams(needs_layout_passes=False),
    cost_estimate=pl.CostEstimate(
        flops=10**8, transcendentals=10**6, bytes_accessed=10**8),
    scratch_types=[
        pltpu.VMEM((_L,), jnp.int32),
        pltpu.VMEM((_S,), jnp.float32),
        pltpu.VMEM((_L,), jnp.float32),
        pltpu.VMEM((_L,), jnp.int32),
        pltpu.VMEM((_L,), jnp.float32),
        pltpu.SemaphoreType.DMA,
        pltpu.SemaphoreType.DMA,
        pltpu.SemaphoreType.DMA,
        pltpu.SemaphoreType.DMA,
        pltpu.SemaphoreType.DMA,
    ],
)
def _sc_scalars(combo_hbm, nlsd_hbm, len_ref, lp_ref, out_size_hbm,
                vc, vx, vlp, vwl, vwp, s0, s1, s2, s3, s4):
    @pl.when(jnp.logical_and(lax.axis_index("c") == 0,
                             lax.axis_index("s") == 0))
    def _():
        c_combo = pltpu.async_copy(combo_hbm, vc, s0)
        c_nlsd = pltpu.async_copy(nlsd_hbm, vx, s1)
        c_combo.wait()

        lane = lax.iota(jnp.int32, _L)
        v = vc[...]
        zero = jnp.zeros((_L,), jnp.int32)
        idx = lax.reduce_max(jnp.where(lane < 8, v, zero), axes=(0,))
        vn = jnp.full((_L,), lax.reduce_max(jnp.where(lane >= 8, v, zero),
                                            axes=(0,)))

        base = pl.multiple_of(jnp.minimum((idx >> 3) << 3, _M - _L), 8)
        hit = lane == (idx - base)

        c_len = pltpu.async_copy(len_ref.at[pl.ds(base, _L)], vwl, s2)
        c_lp = pltpu.async_copy(lp_ref.at[pl.ds(base, _L)], vwp, s3)
        vc[...] = v + 1
        c_size = pltpu.async_copy(vc, out_size_hbm, s0)

        c_len.wait()
        vwl[...] = jnp.where(hit, vn, vwl[...])
        c_lenw = pltpu.async_copy(vwl, len_ref.at[pl.ds(base, _L)], s2)

        c_nlsd.wait()

        def max_body(i, acc):
            return jnp.maximum(acc, vx[pl.ds(i * _L, _L)])

        mvec = lax.fori_loop(1, _S // _L, max_body, vx[pl.ds(0, _L)],
                             unroll=8)
        mmax = jnp.full((_L,), jnp.max(mvec))

        def sum_body(i, acc):
            return acc + jnp.exp(vx[pl.ds(i * _L, _L)] - mmax)

        svec = lax.fori_loop(0, _S // _L, sum_body,
                             jnp.zeros((_L,), jnp.float32), unroll=8)
        tot = jnp.full((_L,), jnp.sum(svec))
        vlp[...] = mmax + _log_f32(tot)

        c_lp.wait()
        vwp[...] = jnp.where(hit, vlp[...], vwp[...])
        c_lpw = pltpu.async_copy(vwp, lp_ref.at[pl.ds(base, _L)], s4)

        c_size.wait()
        c_lenw.wait()
        c_lpw.wait()


_RB = (_ROW + 7) // 8


def _paste_body(size_ref, nseq_ref, seq_win_ref, out_ref):
    idx = size_ref[0]
    base128 = (idx >> 7) << 7
    gl = base128 + lax.broadcasted_iota(jnp.int32, (_ROW, 128), 1)
    out_ref[...] = jnp.where(gl == idx, nseq_ref[...], seq_win_ref[...])


def _paste(size1, nseq_b, seq_t):
    return pl.pallas_call(
        _paste_body,
        grid_spec=pltpu.PrefetchScalarGridSpec(
            num_scalar_prefetch=1,
            grid=(1,),
            in_specs=[
                pl.BlockSpec((_ROW, 128), lambda i, sref: (0, 0)),
                pl.BlockSpec(
                    (_ROW, 128), lambda i, sref: (0, sref[0] // 128)),
            ],
            out_specs=pl.BlockSpec(
                (_ROW, 128), lambda i, sref: (0, sref[0] // 128)),
        ),
        out_shape=jax.ShapeDtypeStruct((_ROW, _M), jnp.int32),
        input_output_aliases={2: 0},
    )(size1, nseq_b, seq_t)


def kernel(sequences, sequence_lengths, log_probabilities, size,
           node_sequence, node_sequence_length, node_log_state_distribution):
    size_i = jnp.asarray(size, jnp.int32)
    nsl_i = jnp.asarray(node_sequence_length, jnp.int32)
    combo = jnp.where(jnp.arange(_L) < 8, size_i, nsl_i)
    nseq_b = jnp.broadcast_to(
        jnp.asarray(node_sequence, jnp.int32)[:, None], (_ROW, 128))
    size1 = size_i.reshape(1)

    seq_t = sequences.T
    len_ref = jax.new_ref(sequence_lengths)
    lp_ref = jax.new_ref(log_probabilities)

    out16 = _sc_scalars(combo, node_log_state_distribution, len_ref, lp_ref)
    seq_new_t = _paste(size1, nseq_b, seq_t)

    return seq_new_t.T, len_ref[...], lp_ref[...], out16[0]

# --- scband reference (transcript-rebuilt; emitter-appended) ---
"""Pipeline reference for scband-tree-data-20469814133244 (READ-ONLY COPY).

The authoritative reference and input builder live on the scoring server;
editing this copy changes nothing except your own understanding.
"""

import jax, jax.numpy as jnp
import numpy as np


def setup_inputs(seed: int = 0) -> dict:
    key = jax.random.key(seed)
    ks = jax.random.split(key, 5)
    M, L, S = 1000000, 50, 4096
    sequences = jax.random.randint(ks[0], (M, L), 0, 2, dtype=jnp.int32)
    sequence_lengths = jax.random.randint(ks[1], (M,), 0, 50, dtype=jnp.int32)
    log_probabilities = jax.random.normal(ks[2], (M,), dtype=jnp.float32)
    size = 123456  # current fill level of the tree buffer; scalar int, < M
    node_sequence = jax.random.randint(ks[3], (L,), 0, 2, dtype=jnp.int32)
    node_sequence_length = 37
    node_log_state_distribution = jax.random.normal(ks[4], (S,), dtype=jnp.float32)
    return {
        "sequences": sequences,
        "sequence_lengths": sequence_lengths,
        "log_probabilities": log_probabilities,
        "size": size,
        "node_sequence": node_sequence,
        "node_sequence_length": node_sequence_length,
        "node_log_state_distribution": node_log_state_distribution,
    }


def reference(sequences, sequence_lengths, log_probabilities, size,
              node_sequence, node_sequence_length, node_log_state_distribution):
    # MixedStateNode.__init__: log_probability = logsumexp(log_state_distribution)
    log_probability = jax.nn.logsumexp(node_log_state_distribution)
    # TreeData.add: scatter-overwrite row `size` of each buffer, bump size.
    new_sequences = sequences.at[size].set(node_sequence)
    new_sequence_lengths = sequence_lengths.at[size].set(
        jnp.asarray(node_sequence_length, dtype=jnp.int32))
    new_log_probabilities = log_probabilities.at[size].set(log_probability)
    new_size = jnp.asarray(size, dtype=jnp.int32) + 1
    return (new_sequences, new_sequence_lengths, new_log_probabilities, new_size)

if __name__ == "__main__":
    import jax
    _d = setup_inputs()
    print(jax.jit(kernel)(*tuple(_d.values())))

</pallas_src>

<mosaic_0001>
#map = affine_map<(d0, d1) -> (0)>
module attributes {stable_mosaic.version = 14 : i64} {
  func.func @new_body(%arg0: i32, %arg1: i32, %arg2: memref<16xi32, #tpu.memory_space<hbm>>, %arg3: memref<4096xf32, #tpu.memory_space<hbm>>, %arg4: memref<1000000xi32, #tpu.memory_space<hbm>>, %arg5: memref<1000000xf32, #tpu.memory_space<hbm>>, %arg6: memref<16xi32, #tpu.memory_space<hbm>>, %arg7: memref<1000000xi32, #tpu.memory_space<hbm>>, %arg8: memref<1000000xf32, #tpu.memory_space<hbm>>, %arg9: memref<16xi32, #tpu.memory_space<vmem>>, %arg10: memref<4096xf32, #tpu.memory_space<vmem>>, %arg11: memref<16xf32, #tpu.memory_space<vmem>>, %arg12: memref<16xi32, #tpu.memory_space<vmem>>, %arg13: memref<16xf32, #tpu.memory_space<vmem>>, %arg14: memref<!tpu.dma_semaphore, #tpu.memory_space<semaphore_mem>>, %arg15: memref<!tpu.dma_semaphore, #tpu.memory_space<semaphore_mem>>, %arg16: memref<!tpu.dma_semaphore, #tpu.memory_space<semaphore_mem>>, %arg17: memref<!tpu.dma_semaphore, #tpu.memory_space<semaphore_mem>>, %arg18: memref<!tpu.dma_semaphore, #tpu.memory_space<semaphore_mem>>) attributes {dimension_semantics = [#tpu.dimension_semantics<core_parallel>, #tpu.dimension_semantics<subcore_parallel>], iteration_bounds = array<i64: 2, 16>, scalar_prefetch = 0 : i64, scratch_operands = 10 : i64, tpu.core_type = #tpu.core_type<sc_vector_subcore>, window_params = [{transform_indices = #map}, {transform_indices = #map}, {transform_indices = #map}, {transform_indices = #map}, {transform_indices = #map}, {transform_indices = #map}, {transform_indices = #map}]} {
    %eq3A = arith.constant 0 : i32
    %eq3A_0 = arith.cmpi eq, %arg0, %eq3A : i32
    %eq3A_1 = arith.constant 0 : i32
    %eq3A_2 = arith.cmpi eq, %arg1, %eq3A_1 : i32
    %and3A = arith.andi %eq3A_0, %eq3A_2 : i1
    %convert_element_type3A = arith.extui %and3A : i1 to i32
    %cond3A = arith.constant 0 : i32
    %cond3A_3 = arith.cmpi ne, %convert_element_type3A, %cond3A : i32
    scf.if %cond3A_3 {
      tpu.enqueue_dma source(%arg2 : memref<16xi32, #tpu.memory_space<hbm>>) target(%arg9 : memref<16xi32, #tpu.memory_space<vmem>>) target_semaphore(%arg14 : memref<!tpu.dma_semaphore, #tpu.memory_space<semaphore_mem>>)
      tpu.enqueue_dma source(%arg3 : memref<4096xf32, #tpu.memory_space<hbm>>) target(%arg10 : memref<4096xf32, #tpu.memory_space<vmem>>) target_semaphore(%arg15 : memref<!tpu.dma_semaphore, #tpu.memory_space<semaphore_mem>>)
      tpu.wait_dma2 semaphore(%arg14 : memref<!tpu.dma_semaphore, #tpu.memory_space<semaphore_mem>>) src(%arg2 : memref<16xi32, #tpu.memory_space<hbm>>) dst(%arg9 : memref<16xi32, #tpu.memory_space<vmem>>)
      %iota3A = tpu.iota {dimensions = array<i32: 0>} : vector<16xi32>
      %get3A = arith.constant 0 : index
      %get3A_4 = tpu.vector_load %arg9[%get3A] {strides = array<i32>} : memref<16xi32, #tpu.memory_space<vmem>>, vector<16xi32>,
      %broadcast_in_dim3A = arith.constant 0 : i32
      %broadcast_in_dim3A_5 = vector.broadcast %broadcast_in_dim3A : i32 to vector<16xi32>
      %lt3A = arith.constant 8 : i32
      %lt3A_6 = vector.broadcast %lt3A : i32 to vector<16xi32>
      %lt3A_7 = arith.cmpi slt, %iota3A, %lt3A_6 : vector<16xi32>
      %select_n3A = arith.select %lt3A_7, %get3A_4, %broadcast_in_dim3A_5 : vector<16xi1>, vector<16xi32>
      %reduce_max3A = arith.constant true
      %reduce_max3A_8 = vector.broadcast %reduce_max3A : i1 to vector<16xi1>
      %reduce_max3A_9 = arith.constant -2147483648 : i32
      %reduce_max3A_10 = vector.broadcast %reduce_max3A_9 : i32 to vector<16xi32>
      %reduce_max3A_11 = arith.xori %select_n3A, %reduce_max3A_10 : vector<16xi32>
      %reduce_max3A_12 = tpu.scan <max>, %reduce_max3A_11 masked %reduce_max3A_8 : vector<16xi32>, vector<16xi1> -> vector<16xi32>
      %reduce_max3A_13 = arith.xori %reduce_max3A_12, %reduce_max3A_10 : vector<16xi32>
      %reduce_max3A_14 = vector.extract %reduce_max3A_13[15] : i32 from vector<16xi32>
      %ge3A = arith.constant 8 : i32
      %ge3A_15 = vector.broadcast %ge3A : i32 to vector<16xi32>
      %ge3A_16 = arith.cmpi sge, %iota3A, %ge3A_15 : vector<16xi32>
      %select_n3A_17 = arith.select %ge3A_16, %get3A_4, %broadcast_in_dim3A_5 : vector<16xi1>, vector<16xi32>
      %reduce_max3A_18 = arith.constant true
      %reduce_max3A_19 = vector.broadcast %reduce_max3A_18 : i1 to vector<16xi1>
      %reduce_max3A_20 = arith.constant -2147483648 : i32
      %reduce_max3A_21 = vector.broadcast %reduce_max3A_20 : i32 to vector<16xi32>
      %reduce_max3A_22 = arith.xori %select_n3A_17, %reduce_max3A_21 : vector<16xi32>
      %reduce_max3A_23 = tpu.scan <max>, %reduce_max3A_22 masked %reduce_max3A_19 : vector<16xi32>, vector<16xi1> -> vector<16xi32>
      %reduce_max3A_24 = arith.xori %reduce_max3A_23, %reduce_max3A_21 : vector<16xi32>
      %reduce_max3A_25 = vector.extract %reduce_max3A_24[15] : i32 from vector<16xi32>
      %broadcast_in_dim3A_26 = vector.broadcast %reduce_max3A_25 : i32 to vector<16xi32>
      %shift_right_arithmetic3A = arith.constant 3 : i32
      %shift_right_arithmetic3A_27 = arith.shrsi %reduce_max3A_14, %shift_right_arithmetic3A : i32
      %shift_left3A = arith.constant 3 : i32
      %shift_left3A_28 = arith.shli %shift_right_arithmetic3A_27, %shift_left3A : i32
      %min3A = arith.constant 999984 : i32
      %min3A_29 = arith.minsi %shift_left3A_28, %min3A : i32
      %multiple_of3A = tpu.assume_multiple %min3A_29, 8 : i32
      %sub3A = arith.subi %reduce_max3A_14, %multiple_of3A : i32
      %eq3A_30 = vector.broadcast %sub3A : i32 to vector<16xi32>
      %eq3A_31 = arith.cmpi eq, %iota3A, %eq3A_30 : vector<16xi32>
      %dma_start3A = tpu.memref_slice %arg4[%multiple_of3A] : memref<1000000xi32, #tpu.memory_space<hbm>> -> memref<16xi32, #tpu.memory_space<hbm>>
      %dma_start3A_32 = tpu.memref_slice %arg4[%multiple_of3A] : memref<1000000xi32, #tpu.memory_space<hbm>> -> memref<16xi32, #tpu.memory_space<hbm>>
      tpu.enqueue_dma source(%dma_start3A_32 : memref<16xi32, #tpu.memory_space<hbm>>) target(%arg12 : memref<16xi32, #tpu.memory_space<vmem>>) target_semaphore(%arg16 : memref<!tpu.dma_semaphore, #tpu.memory_space<semaphore_mem>>)
      %dma_start3A_33 = tpu.memref_slice %arg5[%multiple_of3A] : memref<1000000xf32, #tpu.memory_space<hbm>> -> memref<16xf32, #tpu.memory_space<hbm>>
      %dma_start3A_34 = tpu.memref_slice %arg5[%multiple_of3A] : memref<1000000xf32, #tpu.memory_space<hbm>> -> memref<16xf32, #tpu.memory_space<hbm>>
      tpu.enqueue_dma source(%dma_start3A_34 : memref<16xf32, #tpu.memory_space<hbm>>) target(%arg13 : memref<16xf32, #tpu.memory_space<vmem>>) target_semaphore(%arg17 : memref<!tpu.dma_semaphore, #tpu.memory_space<semaphore_mem>>)
      %add3A = arith.constant 1 : i32
      %add3A_35 = vector.broadcast %add3A : i32 to vector<16xi32>
      %add3A_36 = arith.addi %get3A_4, %add3A_35 : vector<16xi32>
      %swap3A = arith.constant 0 : index
      %swap3A_37 = tpu.vector_load %arg9[%swap3A] {strides = array<i32>} : memref<16xi32, #tpu.memory_space<vmem>>, vector<16xi32>,
      tpu.vector_store %arg9[%swap3A], %add3A_36 {strides = array<i32>} : memref<16xi32, #tpu.memory_space<vmem>>, vector<16xi32>,
      tpu.enqueue_dma source(%arg9 : memref<16xi32, #tpu.memory_space<vmem>>) target(%arg6 : memref<16xi32, #tpu.memory_space<hbm>>) target_semaphore(%arg14 : memref<!tpu.dma_semaphore, #tpu.memory_space<semaphore_mem>>)
      %dma_wait3A = tpu.memref_slice %arg4[%multiple_of3A] : memref<1000000xi32, #tpu.memory_space<hbm>> -> memref<16xi32, #tpu.memory_space<hbm>>
      %dma_wait3A_38 = tpu.memref_slice %arg4[%multiple_of3A] : memref<1000000xi32, #tpu.memory_space<hbm>> -> memref<16xi32, #tpu.memory_space<hbm>>
      tpu.wait_dma2 semaphore(%arg16 : memref<!tpu.dma_semaphore, #tpu.memory_space<semaphore_mem>>) src(%dma_wait3A_38 : memref<16xi32, #tpu.memory_space<hbm>>) dst(%arg12 : memref<16xi32, #tpu.memory_space<vmem>>)
      %get3A_39 = arith.constant 0 : index
      %get3A_40 = tpu.vector_load %arg12[%get3A_39] {strides = array<i32>} : memref<16xi32, #tpu.memory_space<vmem>>, vector<16xi32>,
      %select_n3A_41 = arith.select %eq3A_31, %broadcast_in_dim3A_26, %get3A_40 : vector<16xi1>, vector<16xi32>
      %swap3A_42 = arith.constant 0 : index
      %swap3A_43 = tpu.vector_load %arg12[%swap3A_42] {strides = array<i32>} : memref<16xi32, #tpu.memory_space<vmem>>, vector<16xi32>,
      tpu.vector_store %arg12[%swap3A_42], %select_n3A_41 {strides = array<i32>} : memref<16xi32, #tpu.memory_space<vmem>>, vector<16xi32>,
      %dma_start3A_44 = tpu.memref_slice %arg4[%multiple_of3A] : memref<1000000xi32, #tpu.memory_space<hbm>> -> memref<16xi32, #tpu.memory_space<hbm>>
      %dma_start3A_45 = tpu.memref_slice %arg4[%multiple_of3A] : memref<1000000xi32, #tpu.memory_space<hbm>> -> memref<16xi32, #tpu.memory_space<hbm>>
      tpu.enqueue_dma source(%arg12 : memref<16xi32, #tpu.memory_space<vmem>>) target(%dma_start3A_45 : memref<16xi32, #tpu.memory_space<hbm>>) target_semaphore(%arg16 : memref<!tpu.dma_semaphore, #tpu.memory_space<semaphore_mem>>)
      tpu.wait_dma2 semaphore(%arg15 : memref<!tpu.dma_semaphore, #tpu.memory_space<semaphore_mem>>) src(%arg3 : memref<4096xf32, #tpu.memory_space<hbm>>) dst(%arg10 : memref<4096xf32, #tpu.memory_space<vmem>>)
      %get3A_46 = arith.constant 0 : index
      %get3A_47 = tpu.vector_load %arg10[%get3A_46] {strides = array<i32>} : memref<4096xf32, #tpu.memory_space<vmem>>, vector<16xf32>,
      %scan3A = arith.constant 1 : i32
      %scan3A_48 = arith.constant 248 : i32
      %scan3A_49 = arith.addi %scan3A, %scan3A_48 : i32
      %scan3A_50 = arith.constant 8 : i32
      %scan3A_51 = scf.for %scan3A_181 = %scan3A to %scan3A_49 step %scan3A_50 iter_args(%scan3A_182 = %get3A_47) -> (vector<16xf32>)  : i32 {
        %mul3A_183 = arith.constant 16 : i32
        %mul3A_184 = arith.muli %scan3A_181, %mul3A_183 : i32
        %get3A_185 = arith.index_cast %mul3A_184 : i32 to index
        %get3A_186 = tpu.vector_load %arg10[%get3A_185] {strides = array<i32>} : memref<4096xf32, #tpu.memory_space<vmem>>, vector<16xf32>,
        %max3A_187 = arith.maximumf %scan3A_182, %get3A_186 : vector<16xf32>
        %scan3A_188 = arith.constant 1 : i32
        %scan3A_189 = arith.addi %scan3A_181, %scan3A_188 : i32
        %mul3A_190 = arith.constant 16 : i32
        %mul3A_191 = arith.muli %scan3A_189, %mul3A_190 : i32
        %get3A_192 = arith.index_cast %mul3A_191 : i32 to index
        %get3A_193 = tpu.vector_load %arg10[%get3A_192] {strides = array<i32>} : memref<4096xf32, #tpu.memory_space<vmem>>, vector<16xf32>,
        %max3A_194 = arith.maximumf %max3A_187, %get3A_193 : vector<16xf32>
        %scan3A_195 = arith.constant 2 : i32
        %scan3A_196 = arith.addi %scan3A_181, %scan3A_195 : i32
        %mul3A_197 = arith.constant 16 : i32
        %mul3A_198 = arith.muli %scan3A_196, %mul3A_197 : i32
        %get3A_199 = arith.index_cast %mul3A_198 : i32 to index
        %get3A_200 = tpu.vector_load %arg10[%get3A_199] {strides = array<i32>} : memref<4096xf32, #tpu.memory_space<vmem>>, vector<16xf32>,
        %max3A_201 = arith.maximumf %max3A_194, %get3A_200 : vector<16xf32>
        %scan3A_202 = arith.constant 3 : i32
        %scan3A_203 = arith.addi %scan3A_181, %scan3A_202 : i32
        %mul3A_204 = arith.constant 16 : i32
        %mul3A_205 = arith.muli %scan3A_203, %mul3A_204 : i32
        %get3A_206 = arith.index_cast %mul3A_205 : i32 to index
        %get3A_207 = tpu.vector_load %arg10[%get3A_206] {strides = array<i32>} : memref<4096xf32, #tpu.memory_space<vmem>>, vector<16xf32>,
        %max3A_208 = arith.maximumf %max3A_201, %get3A_207 : vector<16xf32>
        %scan3A_209 = arith.constant 4 : i32
        %scan3A_210 = arith.addi %scan3A_181, %scan3A_209 : i32
        %mul3A_211 = arith.constant 16 : i32
        %mul3A_212 = arith.muli %scan3A_210, %mul3A_211 : i32
        %get3A_213 = arith.index_cast %mul3A_212 : i32 to index
        %get3A_214 = tpu.vector_load %arg10[%get3A_213] {strides = array<i32>} : memref<4096xf32, #tpu.memory_space<vmem>>, vector<16xf32>,
        %max3A_215 = arith.maximumf %max3A_208, %get3A_214 : vector<16xf32>
        %scan3A_216 = arith.constant 5 : i32
        %scan3A_217 = arith.addi %scan3A_181, %scan3A_216 : i32
        %mul3A_218 = arith.constant 16 : i32
        %mul3A_219 = arith.muli %scan3A_217, %mul3A_218 : i32
        %get3A_220 = arith.index_cast %mul3A_219 : i32 to index
        %get3A_221 = tpu.vector_load %arg10[%get3A_220] {strides = array<i32>} : memref<4096xf32, #tpu.memory_space<vmem>>, vector<16xf32>,
        %max3A_222 = arith.maximumf %max3A_215, %get3A_221 : vector<16xf32>
        %scan3A_223 = arith.constant 6 : i32
        %scan3A_224 = arith.addi %scan3A_181, %scan3A_223 : i32
        %mul3A_225 = arith.constant 16 : i32
        %mul3A_226 = arith.muli %scan3A_224, %mul3A_225 : i32
        %get3A_227 = arith.index_cast %mul3A_226 : i32 to index
        %get3A_228 = tpu.vector_load %arg10[%get3A_227] {strides = array<i32>} : memref<4096xf32, #tpu.memory_space<vmem>>, vector<16xf32>,
        %max3A_229 = arith.maximumf %max3A_222, %get3A_228 : vector<16xf32>
        %scan3A_230 = arith.constant 7 : i32
        %scan3A_231 = arith.addi %scan3A_181, %scan3A_230 : i32
        %mul3A_232 = arith.constant 16 : i32
        %mul3A_233 = arith.muli %scan3A_231, %mul3A_232 : i32
        %get3A_234 = arith.index_cast %mul3A_233 : i32 to index
        %get3A_235 = tpu.vector_load %arg10[%get3A_234] {strides = array<i32>} : memref<4096xf32, #tpu.memory_space<vmem>>, vector<16xf32>,
        %max3A_236 = arith.maximumf %max3A_229, %get3A_235 : vector<16xf32>
        scf.yield %max3A_236 : vector<16xf32>
      }
      %scan3A_52 = arith.constant 248 : i32
      %scan3A_53 = arith.addi %scan3A, %scan3A_52 : i32
      %mul3A = arith.constant 16 : i32
      %mul3A_54 = arith.muli %scan3A_53, %mul3A : i32
      %get3A_55 = arith.index_cast %mul3A_54 : i32 to index
      %get3A_56 = tpu.vector_load %arg10[%get3A_55] {strides = array<i32>} : memref<4096xf32, #tpu.memory_space<vmem>>, vector<16xf32>,
      %max3A = arith.maximumf %scan3A_51, %get3A_56 : vector<16xf32>
      %scan3A_57 = arith.constant 249 : i32
      %scan3A_58 = arith.addi %scan3A, %scan3A_57 : i32
      %mul3A_59 = arith.constant 16 : i32
      %mul3A_60 = arith.muli %scan3A_58, %mul3A_59 : i32
      %get3A_61 = arith.index_cast %mul3A_60 : i32 to index
      %get3A_62 = tpu.vector_load %arg10[%get3A_61] {strides = array<i32>} : memref<4096xf32, #tpu.memory_space<vmem>>, vector<16xf32>,
      %max3A_63 = arith.maximumf %max3A, %get3A_62 : vector<16xf32>
      %scan3A_64 = arith.constant 250 : i32
      %scan3A_65 = arith.addi %scan3A, %scan3A_64 : i32
      %mul3A_66 = arith.constant 16 : i32
      %mul3A_67 = arith.muli %scan3A_65, %mul3A_66 : i32
      %get3A_68 = arith.index_cast %mul3A_67 : i32 to index
      %get3A_69 = tpu.vector_load %arg10[%get3A_68] {strides = array<i32>} : memref<4096xf32, #tpu.memory_space<vmem>>, vector<16xf32>,
      %max3A_70 = arith.maximumf %max3A_63, %get3A_69 : vector<16xf32>
      %scan3A_71 = arith.constant 251 : i32
      %scan3A_72 = arith.addi %scan3A, %scan3A_71 : i32
      %mul3A_73 = arith.constant 16 : i32
      %mul3A_74 = arith.muli %scan3A_72, %mul3A_73 : i32
      %get3A_75 = arith.index_cast %mul3A_74 : i32 to index
      %get3A_76 = tpu.vector_load %arg10[%get3A_75] {strides = array<i32>} : memref<4096xf32, #tpu.memory_space<vmem>>, vector<16xf32>,
      %max3A_77 = arith.maximumf %max3A_70, %get3A_76 : vector<16xf32>
      %scan3A_78 = arith.constant 252 : i32
      %scan3A_79 = arith.addi %scan3A, %scan3A_78 : i32
      %mul3A_80 = arith.constant 16 : i32
      %mul3A_81 = arith.muli %scan3A_79, %mul3A_80 : i32
      %get3A_82 = arith.index_cast %mul3A_81 : i32 to index
      %get3A_83 = tpu.vector_load %arg10[%get3A_82] {strides = array<i32>} : memref<4096xf32, #tpu.memory_space<vmem>>, vector<16xf32>,
      %max3A_84 = arith.maximumf %max3A_77, %get3A_83 : vector<16xf32>
      %scan3A_85 = arith.constant 253 : i32
      %scan3A_86 = arith.addi %scan3A, %scan3A_85 : i32
      %mul3A_87 = arith.constant 16 : i32
      %mul3A_88 = arith.muli %scan3A_86, %mul3A_87 : i32
      %get3A_89 = arith.index_cast %mul3A_88 : i32 to index
      %get3A_90 = tpu.vector_load %arg10[%get3A_89] {strides = array<i32>} : memref<4096xf32, #tpu.memory_space<vmem>>, vector<16xf32>,
      %max3A_91 = arith.maximumf %max3A_84, %get3A_90 : vector<16xf32>
      %scan3A_92 = arith.constant 254 : i32
      %scan3A_93 = arith.addi %scan3A, %scan3A_92 : i32
      %mul3A_94 = arith.constant 16 : i32
      %mul3A_95 = arith.muli %scan3A_93, %mul3A_94 : i32
      %get3A_96 = arith.index_cast %mul3A_95 : i32 to index
      %get3A_97 = tpu.vector_load %arg10[%get3A_96] {strides = array<i32>} : memref<4096xf32, #tpu.memory_space<vmem>>, vector<16xf32>,
      %max3A_98 = arith.maximumf %max3A_91, %get3A_97 : vector<16xf32>
      %scan3A_99 = arith.constant 255 : i32
      %reduce_max3A_100 = arith.constant true
      %reduce_max3A_101 = vector.broadcast %reduce_max3A_100 : i1 to vector<16xi1>
      %reduce_max3A_102 = tpu.scan <max>, %max3A_98 masked %reduce_max3A_101 : vector<16xf32>, vector<16xi1> -> vector<16xf32>
      %reduce_max3A_103 = vector.extract %reduce_max3A_102[15] : f32 from vector<16xf32>
      %broadcast_in_dim3A_104 = vector.broadcast %reduce_max3A_103 : f32 to vector<16xf32>
      %broadcast_in_dim3A_105 = arith.constant 0.000000e+00 : f32
      %broadcast_in_dim3A_106 = vector.broadcast %broadcast_in_dim3A_105 : f32 to vector<16xf32>
      %scan3A_107 = arith.constant 0 : i32
      %scan3A_108 = arith.constant 256 : i32
      %scan3A_109 = arith.addi %scan3A_107, %scan3A_108 : i32
      %scan3A_110 = arith.constant 8 : i32
      %scan3A_111 = scf.for %scan3A_181 = %scan3A_107 to %scan3A_109 step %scan3A_110 iter_args(%scan3A_182 = %broadcast_in_dim3A_106) -> (vector<16xf32>)  : i32 {
        %mul3A_183 = arith.constant 16 : i32
        %mul3A_184 = arith.muli %scan3A_181, %mul3A_183 : i32
        %get3A_185 = arith.index_cast %mul3A_184 : i32 to index
        %get3A_186 = tpu.vector_load %arg10[%get3A_185] {strides = array<i32>} : memref<4096xf32, #tpu.memory_space<vmem>>, vector<16xf32>,
        %sub3A_187 = arith.subf %get3A_186, %broadcast_in_dim3A_104 : vector<16xf32>
        %exp3A = math.exp %sub3A_187 : vector<16xf32>
        %add3A_188 = arith.addf %scan3A_182, %exp3A : vector<16xf32>
        %scan3A_189 = arith.constant 1 : i32
        %scan3A_190 = arith.addi %scan3A_181, %scan3A_189 : i32
        %mul3A_191 = arith.constant 16 : i32
        %mul3A_192 = arith.muli %scan3A_190, %mul3A_191 : i32
        %get3A_193 = arith.index_cast %mul3A_192 : i32 to index
        %get3A_194 = tpu.vector_load %arg10[%get3A_193] {strides = array<i32>} : memref<4096xf32, #tpu.memory_space<vmem>>, vector<16xf32>,
        %sub3A_195 = arith.subf %get3A_194, %broadcast_in_dim3A_104 : vector<16xf32>
        %exp3A_196 = math.exp %sub3A_195 : vector<16xf32>
        %add3A_197 = arith.addf %add3A_188, %exp3A_196 : vector<16xf32>
        %scan3A_198 = arith.constant 2 : i32
        %scan3A_199 = arith.addi %scan3A_181, %scan3A_198 : i32
        %mul3A_200 = arith.constant 16 : i32
        %mul3A_201 = arith.muli %scan3A_199, %mul3A_200 : i32
        %get3A_202 = arith.index_cast %mul3A_201 : i32 to index
        %get3A_203 = tpu.vector_load %arg10[%get3A_202] {strides = array<i32>} : memref<4096xf32, #tpu.memory_space<vmem>>, vector<16xf32>,
        %sub3A_204 = arith.subf %get3A_203, %broadcast_in_dim3A_104 : vector<16xf32>
        %exp3A_205 = math.exp %sub3A_204 : vector<16xf32>
        %add3A_206 = arith.addf %add3A_197, %exp3A_205 : vector<16xf32>
        %scan3A_207 = arith.constant 3 : i32
        %scan3A_208 = arith.addi %scan3A_181, %scan3A_207 : i32
        %mul3A_209 = arith.constant 16 : i32
        %mul3A_210 = arith.muli %scan3A_208, %mul3A_209 : i32
        %get3A_211 = arith.index_cast %mul3A_210 : i32 to index
        %get3A_212 = tpu.vector_load %arg10[%get3A_211] {strides = array<i32>} : memref<4096xf32, #tpu.memory_space<vmem>>, vector<16xf32>,
        %sub3A_213 = arith.subf %get3A_212, %broadcast_in_dim3A_104 : vector<16xf32>
        %exp3A_214 = math.exp %sub3A_213 : vector<16xf32>
        %add3A_215 = arith.addf %add3A_206, %exp3A_214 : vector<16xf32>
        %scan3A_216 = arith.constant 4 : i32
        %scan3A_217 = arith.addi %scan3A_181, %scan3A_216 : i32
        %mul3A_218 = arith.constant 16 : i32
        %mul3A_219 = arith.muli %scan3A_217, %mul3A_218 : i32
        %get3A_220 = arith.index_cast %mul3A_219 : i32 to index
        %get3A_221 = tpu.vector_load %arg10[%get3A_220] {strides = array<i32>} : memref<4096xf32, #tpu.memory_space<vmem>>, vector<16xf32>,
        %sub3A_222 = arith.subf %get3A_221, %broadcast_in_dim3A_104 : vector<16xf32>
        %exp3A_223 = math.exp %sub3A_222 : vector<16xf32>
        %add3A_224 = arith.addf %add3A_215, %exp3A_223 : vector<16xf32>
        %scan3A_225 = arith.constant 5 : i32
        %scan3A_226 = arith.addi %scan3A_181, %scan3A_225 : i32
        %mul3A_227 = arith.constant 16 : i32
        %mul3A_228 = arith.muli %scan3A_226, %mul3A_227 : i32
        %get3A_229 = arith.index_cast %mul3A_228 : i32 to index
        %get3A_230 = tpu.vector_load %arg10[%get3A_229] {strides = array<i32>} : memref<4096xf32, #tpu.memory_space<vmem>>, vector<16xf32>,
        %sub3A_231 = arith.subf %get3A_230, %broadcast_in_dim3A_104 : vector<16xf32>
        %exp3A_232 = math.exp %sub3A_231 : vector<16xf32>
        %add3A_233 = arith.addf %add3A_224, %exp3A_232 : vector<16xf32>
        %scan3A_234 = arith.constant 6 : i32
        %scan3A_235 = arith.addi %scan3A_181, %scan3A_234 : i32
        %mul3A_236 = arith.constant 16 : i32
        %mul3A_237 = arith.muli %scan3A_235, %mul3A_236 : i32
        %get3A_238 = arith.index_cast %mul3A_237 : i32 to index
        %get3A_239 = tpu.vector_load %arg10[%get3A_238] {strides = array<i32>} : memref<4096xf32, #tpu.memory_space<vmem>>, vector<16xf32>,
        %sub3A_240 = arith.subf %get3A_239, %broadcast_in_dim3A_104 : vector<16xf32>
        %exp3A_241 = math.exp %sub3A_240 : vector<16xf32>
        %add3A_242 = arith.addf %add3A_233, %exp3A_241 : vector<16xf32>
        %scan3A_243 = arith.constant 7 : i32
        %scan3A_244 = arith.addi %scan3A_181, %scan3A_243 : i32
        %mul3A_245 = arith.constant 16 : i32
        %mul3A_246 = arith.muli %scan3A_244, %mul3A_245 : i32
        %get3A_247 = arith.index_cast %mul3A_246 : i32 to index
        %get3A_248 = tpu.vector_load %arg10[%get3A_247] {strides = array<i32>} : memref<4096xf32, #tpu.memory_space<vmem>>, vector<16xf32>,
        %sub3A_249 = arith.subf %get3A_248, %broadcast_in_dim3A_104 : vector<16xf32>
        %exp3A_250 = math.exp %sub3A_249 : vector<16xf32>
        %add3A_251 = arith.addf %add3A_242, %exp3A_250 : vector<16xf32>
        scf.yield %add3A_251 : vector<16xf32>
      }
      %scan3A_112 = arith.constant 256 : i32
      %reduce_sum3A = arith.constant true
      %reduce_sum3A_113 = vector.broadcast %reduce_sum3A : i1 to vector<16xi1>
      %reduce_sum3A_114 = tpu.scan <sum>, %scan3A_111 masked %reduce_sum3A_113 : vector<16xf32>, vector<16xi1> -> vector<16xf32>
      %reduce_sum3A_115 = vector.extract %reduce_sum3A_114[15] : f32 from vector<16xf32>
      %broadcast_in_dim3A_116 = vector.broadcast %reduce_sum3A_115 : f32 to vector<16xf32>
      %bitcast3A = vector.bitcast %broadcast_in_dim3A_116 : vector<16xf32> to vector<16xi32>
      %shift_right_arithmetic3A_117 = arith.constant 23 : i32
      %shift_right_arithmetic3A_118 = vector.broadcast %shift_right_arithmetic3A_117 : i32 to vector<16xi32>
      %shift_right_arithmetic3A_119 = arith.shrsi %bitcast3A, %shift_right_arithmetic3A_118 : vector<16xi32>
      %sub3A_120 = arith.constant 127 : i32
      %sub3A_121 = vector.broadcast %sub3A_120 : i32 to vector<16xi32>
      %sub3A_122 = arith.subi %shift_right_arithmetic3A_119, %sub3A_121 : vector<16xi32>
      %and3A_123 = arith.constant 8388607 : i32
      %and3A_124 = vector.broadcast %and3A_123 : i32 to vector<16xi32>
      %and3A_125 = arith.andi %bitcast3A, %and3A_124 : vector<16xi32>
      %or3A = arith.constant 1065353216 : i32
      %or3A_126 = vector.broadcast %or3A : i32 to vector<16xi32>
      %or3A_127 = arith.ori %and3A_125, %or3A_126 : vector<16xi32>
      %bitcast3A_128 = vector.bitcast %or3A_127 : vector<16xi32> to vector<16xf32>
      %sub3A_129 = arith.constant 1.000000e+00 : f32
      %sub3A_130 = vector.broadcast %sub3A_129 : f32 to vector<16xf32>
      %sub3A_131 = arith.subf %bitcast3A_128, %sub3A_130 : vector<16xf32>
      %add3A_132 = arith.constant 1.000000e+00 : f32
      %add3A_133 = vector.broadcast %add3A_132 : f32 to vector<16xf32>
      %add3A_134 = arith.addf %bitcast3A_128, %add3A_133 : vector<16xf32>
      %div3A = arith.divf %sub3A_131, %add3A_134 : vector<16xf32>
      %mul3A_135 = arith.mulf %div3A, %div3A : vector<16xf32>
      %div3A_136 = arith.constant 9.000000e+00 : f32
      %div3A_137 = vector.broadcast %div3A_136 : f32 to vector<16xf32>
      %div3A_138 = arith.divf %mul3A_135, %div3A_137 : vector<16xf32>
      %add3A_139 = arith.constant 0.142857149 : f32
      %add3A_140 = vector.broadcast %add3A_139 : f32 to vector<16xf32>
      %add3A_141 = arith.addf %add3A_140, %div3A_138 : vector<16xf32>
      %mul3A_142 = arith.mulf %mul3A_135, %add3A_141 : vector<16xf32>
      %add3A_143 = arith.constant 2.000000e-01 : f32
      %add3A_144 = vector.broadcast %add3A_143 : f32 to vector<16xf32>
      %add3A_145 = arith.addf %add3A_144, %mul3A_142 : vector<16xf32>
      %mul3A_146 = arith.mulf %mul3A_135, %add3A_145 : vector<16xf32>
      %add3A_147 = arith.constant 0.333333343 : f32
      %add3A_148 = vector.broadcast %add3A_147 : f32 to vector<16xf32>
      %add3A_149 = arith.addf %add3A_148, %mul3A_146 : vector<16xf32>
      %mul3A_150 = arith.mulf %mul3A_135, %add3A_149 : vector<16xf32>
      %add3A_151 = arith.constant 1.000000e+00 : f32
      %add3A_152 = vector.broadcast %add3A_151 : f32 to vector<16xf32>
      %add3A_153 = arith.addf %add3A_152, %mul3A_150 : vector<16xf32>
      %mul3A_154 = arith.constant 2.000000e+00 : f32
      %mul3A_155 = vector.broadcast %mul3A_154 : f32 to vector<16xf32>
      %mul3A_156 = arith.mulf %mul3A_155, %div3A : vector<16xf32>
      %mul3A_157 = arith.mulf %mul3A_156, %add3A_153 : vector<16xf32>
      %convert_element_type3A_158 = arith.sitofp %sub3A_122 : vector<16xi32> to vector<16xf32>
      %mul3A_159 = arith.constant 0.693147182 : f32
      %mul3A_160 = vector.broadcast %mul3A_159 : f32 to vector<16xf32>
      %mul3A_161 = arith.mulf %convert_element_type3A_158, %mul3A_160 : vector<16xf32>
      %add3A_162 = arith.addf %mul3A_161, %mul3A_157 : vector<16xf32>
      %add3A_163 = arith.addf %broadcast_in_dim3A_104, %add3A_162 : vector<16xf32>
      %swap3A_164 = arith.constant 0 : index
      %swap3A_165 = tpu.vector_load %arg11[%swap3A_164] {strides = array<i32>} : memref<16xf32, #tpu.memory_space<vmem>>, vector<16xf32>,
      tpu.vector_store %arg11[%swap3A_164], %add3A_163 {strides = array<i32>} : memref<16xf32, #tpu.memory_space<vmem>>, vector<16xf32>,
      %dma_wait3A_166 = tpu.memref_slice %arg5[%multiple_of3A] : memref<1000000xf32, #tpu.memory_space<hbm>> -> memref<16xf32, #tpu.memory_space<hbm>>
      %dma_wait3A_167 = tpu.memref_slice %arg5[%multiple_of3A] : memref<1000000xf32, #tpu.memory_space<hbm>> -> memref<16xf32, #tpu.memory_space<hbm>>
      tpu.wait_dma2 semaphore(%arg17 : memref<!tpu.dma_semaphore, #tpu.memory_space<semaphore_mem>>) src(%dma_wait3A_167 : memref<16xf32, #tpu.memory_space<hbm>>) dst(%arg13 : memref<16xf32, #tpu.memory_space<vmem>>)
      %get3A_168 = arith.constant 0 : index
      %get3A_169 = tpu.vector_load %arg11[%get3A_168] {strides = array<i32>} : memref<16xf32, #tpu.memory_space<vmem>>, vector<16xf32>,
      %get3A_170 = arith.constant 0 : index
      %get3A_171 = tpu.vector_load %arg13[%get3A_170] {strides = array<i32>} : memref<16xf32, #tpu.memory_space<vmem>>, vector<16xf32>,
      %select_n3A_172 = arith.select %eq3A_31, %get3A_169, %get3A_171 : vector<16xi1>, vector<16xf32>
      %swap3A_173 = arith.constant 0 : index
      %swap3A_174 = tpu.vector_load %arg13[%swap3A_173] {strides = array<i32>} : memref<16xf32, #tpu.memory_space<vmem>>, vector<16xf32>,
      tpu.vector_store %arg13[%swap3A_173], %select_n3A_172 {strides = array<i32>} : memref<16xf32, #tpu.memory_space<vmem>>, vector<16xf32>,
      %dma_start3A_175 = tpu.memref_slice %arg5[%multiple_of3A] : memref<1000000xf32, #tpu.memory_space<hbm>> -> memref<16xf32, #tpu.memory_space<hbm>>
      %dma_start3A_176 = tpu.memref_slice %arg5[%multiple_of3A] : memref<1000000xf32, #tpu.memory_space<hbm>> -> memref<16xf32, #tpu.memory_space<hbm>>
      tpu.enqueue_dma source(%arg13 : memref<16xf32, #tpu.memory_space<vmem>>) target(%dma_start3A_176 : memref<16xf32, #tpu.memory_space<hbm>>) target_semaphore(%arg18 : memref<!tpu.dma_semaphore, #tpu.memory_space<semaphore_mem>>)
      tpu.wait_dma2 semaphore(%arg14 : memref<!tpu.dma_semaphore, #tpu.memory_space<semaphore_mem>>) src(%arg9 : memref<16xi32, #tpu.memory_space<vmem>>) dst(%arg6 : memref<16xi32, #tpu.memory_space<hbm>>)
      %dma_wait3A_177 = tpu.memref_slice %arg4[%multiple_of3A] : memref<1000000xi32, #tpu.memory_space<hbm>> -> memref<16xi32, #tpu.memory_space<hbm>>
      %dma_wait3A_178 = tpu.memref_slice %arg4[%multiple_of3A] : memref<1000000xi32, #tpu.memory_space<hbm>> -> memref<16xi32, #tpu.memory_space<hbm>>
      tpu.wait_dma2 semaphore(%arg16 : memref<!tpu.dma_semaphore, #tpu.memory_space<semaphore_mem>>) src(%arg12 : memref<16xi32, #tpu.memory_space<vmem>>) dst(%dma_wait3A_178 : memref<16xi32, #tpu.memory_space<hbm>>)
      %dma_wait3A_179 = tpu.memref_slice %arg5[%multiple_of3A] : memref<1000000xf32, #tpu.memory_space<hbm>> -> memref<16xf32, #tpu.memory_space<hbm>>
      %dma_wait3A_180 = tpu.memref_slice %arg5[%multiple_of3A] : memref<1000000xf32, #tpu.memory_space<hbm>> -> memref<16xf32, #tpu.memory_space<hbm>>
      tpu.wait_dma2 semaphore(%arg18 : memref<!tpu.dma_semaphore, #tpu.memory_space<semaphore_mem>>) src(%arg13 : memref<16xf32, #tpu.memory_space<vmem>>) dst(%dma_wait3A_180 : memref<16xf32, #tpu.memory_space<hbm>>)
    } else {
    }
    return
  }
}

module attributes {stable_mosaic.version = 14 : i64} {
  func.func @_paste_body(%arg0: i32, %arg1: memref<1xi32, #tpu.memory_space<smem>>, %arg2: memref<50x128xi32, #tpu.memory_space<vmem>>, %arg3: memref<50x128xi32, #tpu.memory_space<vmem>>, %arg4: memref<50x128xi32, #tpu.memory_space<vmem>>) attributes {dimension_semantics = [#tpu.dimension_semantics<arbitrary>], iteration_bounds = array<i64: 1>, scalar_prefetch = 1 : i64, scratch_operands = 0 : i64, tpu.core_type = #tpu.core_type<tc>, window_params = [{pipeline_mode = #tpu.pipeline_mode<synchronous>, transform_indices = @transform_0, window_bounds = array<i64: 50, 128>}, {transform_indices = @transform_1, window_bounds = array<i64: 50, 128>}, {transform_indices = @transform_2, window_bounds = array<i64: 50, 128>}]} {
    %get3A = arith.constant 0 : index
    %get3A_0 = memref.load %arg1[%get3A] : memref<1xi32, #tpu.memory_space<smem>>
    %shift_right_arithmetic3A = arith.constant 7 : i32
    %shift_right_arithmetic3A_1 = arith.shrsi %get3A_0, %shift_right_arithmetic3A : i32
    %shift_left3A = arith.constant 7 : i32
    %shift_left3A_2 = arith.shli %shift_right_arithmetic3A_1, %shift_left3A : i32
    %iota3A = tpu.iota {dimensions = array<i32: 1>} : vector<50x128xi32>
    %add3A = vector.broadcast %shift_left3A_2 : i32 to vector<50x128xi32>
    %add3A_3 = arith.addi %add3A, %iota3A : vector<50x128xi32>
    %eq3A = vector.broadcast %get3A_0 : i32 to vector<50x128xi32>
    %eq3A_4 = arith.cmpi eq, %add3A_3, %eq3A : vector<50x128xi32>
    %get3A_5 = arith.constant 0 : index
    %get3A_6 = arith.constant 0 : index
    %get3A_7 = vector.load %arg2[%get3A_5, %get3A_6] : memref<50x128xi32, #tpu.memory_space<vmem>>, vector<50x128xi32>
    %get3A_8 = arith.constant 0 : index
    %get3A_9 = arith.constant 0 : index
    %get3A_10 = vector.load %arg3[%get3A_8, %get3A_9] : memref<50x128xi32, #tpu.memory_space<vmem>>, vector<50x128xi32>
    %select_n3A = arith.select %eq3A_4, %get3A_7, %get3A_10 : vector<50x128xi1>, vector<50x128xi32>
    %swap3A = arith.constant 0 : index
    %swap3A_11 = arith.constant 0 : index
    %swap3A_12 = vector.load %arg4[%swap3A, %swap3A_11] : memref<50x128xi32, #tpu.memory_space<vmem>>, vector<50x128xi32>
    tpu.vector_store %arg4[%swap3A, %swap3A_11], %select_n3A {strides = array<i32>} : memref<50x128xi32, #tpu.memory_space<vmem>>, vector<50x128xi32>,
    return
  }
  func.func @transform_0(%arg0: i32, %arg1: memref<1xi32, #tpu.memory_space<smem>>) -> (i32, i32) {
    %c0_i32 = arith.constant 0 : i32
    %c0_i32_0 = arith.constant 0 : i32
    %c0_i32_1 = arith.constant 0 : i32
    return %c0_i32, %c0_i32_0 : i32, i32
  }
  func.func @transform_1(%arg0: i32, %arg1: memref<1xi32, #tpu.memory_space<smem>>) -> (i32, i32) {
    %get3A = arith.constant 0 : index
    %get3A_0 = memref.load %arg1[%get3A] : memref<1xi32, #tpu.memory_space<smem>>
    %jit3A = arith.constant 128 : i32
    %div3A = arith.divsi %get3A_0, %jit3A : i32
    %sign3A = arith.constant 0 : i32
    %sign3A_1 = arith.cmpi sgt, %get3A_0, %sign3A : i32
    %sign3A_2 = arith.extui %sign3A_1 : i1 to i32
    %sign3A_3 = arith.constant 0 : i32
    %sign3A_4 = arith.cmpi slt, %get3A_0, %sign3A_3 : i32
    %sign3A_5 = arith.extui %sign3A_4 : i1 to i32
    %sign3A_6 = arith.subi %sign3A_2, %sign3A_5 : i32
    %sign3A_7 = arith.constant 0 : i32
    %sign3A_8 = arith.cmpi sgt, %jit3A, %sign3A_7 : i32
    %sign3A_9 = arith.extui %sign3A_8 : i1 to i32
    %sign3A_10 = arith.constant 0 : i32
    %sign3A_11 = arith.cmpi slt, %jit3A, %sign3A_10 : i32
    %sign3A_12 = arith.extui %sign3A_11 : i1 to i32
    %sign3A_13 = arith.subi %sign3A_9, %sign3A_12 : i32
    %ne3A = arith.cmpi ne, %sign3A_6, %sign3A_13 : i32
    %rem3A = arith.remsi %get3A_0, %jit3A : i32
    %ne3A_14 = arith.constant 0 : i32
    %ne3A_15 = arith.cmpi ne, %rem3A, %ne3A_14 : i32
    %and3A = arith.andi %ne3A, %ne3A_15 : i1
    %sub3A = arith.constant 1 : i32
    %sub3A_16 = arith.subi %div3A, %sub3A : i32
    %select_n3A = arith.select %and3A, %sub3A_16, %div3A : i32
    %c0_i32 = arith.constant 0 : i32
    %c0_i32_17 = arith.constant 0 : i32
    return %c0_i32, %select_n3A : i32, i32
  }
  func.func @transform_2(%arg0: i32, %arg1: memref<1xi32, #tpu.memory_space<smem>>) -> (i32, i32) {
    %get3A = arith.constant 0 : index
    %get3A_0 = memref.load %arg1[%get3A] : memref<1xi32, #tpu.memory_space<smem>>
    %jit3A = arith.constant 128 : i32
    %div3A = arith.divsi %get3A_0, %jit3A : i32
    %sign3A = arith.constant 0 : i32
    %sign3A_1 = arith.cmpi sgt, %get3A_0, %sign3A : i32
    %sign3A_2 = arith.extui %sign3A_1 : i1 to i32
    %sign3A_3 = arith.constant 0 : i32
    %sign3A_4 = arith.cmpi slt, %get3A_0, %sign3A_3 : i32
    %sign3A_5 = arith.extui %sign3A_4 : i1 to i32
    %sign3A_6 = arith.subi %sign3A_2, %sign3A_5 : i32
    %sign3A_7 = arith.constant 0 : i32
    %sign3A_8 = arith.cmpi sgt, %jit3A, %sign3A_7 : i32
    %sign3A_9 = arith.extui %sign3A_8 : i1 to i32
    %sign3A_10 = arith.constant 0 : i32
    %sign3A_11 = arith.cmpi slt, %jit3A, %sign3A_10 : i32
    %sign3A_12 = arith.extui %sign3A_11 : i1 to i32
    %sign3A_13 = arith.subi %sign3A_9, %sign3A_12 : i32
    %ne3A = arith.cmpi ne, %sign3A_6, %sign3A_13 : i32
    %rem3A = arith.remsi %get3A_0, %jit3A : i32
    %ne3A_14 = arith.constant 0 : i32
    %ne3A_15 = arith.cmpi ne, %rem3A, %ne3A_14 : i32
    %and3A = arith.andi %ne3A, %ne3A_15 : i1
    %sub3A = arith.constant 1 : i32
    %sub3A_16 = arith.subi %div3A, %sub3A : i32
    %select_n3A = arith.select %and3A, %sub3A_16, %div3A : i32
    %c0_i32 = arith.constant 0 : i32
    %c0_i32_17 = arith.constant 0 : i32
    return %c0_i32, %select_n3A : i32, i32
  }
}

</mosaic_0001>

<sc_bundles>
// kernel: kernel.4.cloned.1.call-start
scs
__scs_entry_jumppad:
0x0: {  	(pc) =	sbr.rel $0x88, $3  }
0x1: {  	(tag) =	ssettag $0x0;
	lr =	simm.s32 $0x1  }
0x2: {  	[smem:$0x3F9A] =	sst lr;
	_ =	strace $0xD0000000  }
0x3: {  	_ = 	snop  }
0x4: {  	_ = 	snop  }
0x5: {  	_ = 	snop  }
0x6: {  	_ = 	snop  }
0x7: {  	_ = 	snop  }
__scs_overlays_trampoline_lowered:
0x8: {  	[smem:$0x3FA9] =	sst s0  }
0x9: {  	[smem:$0x3FAA] =	sst s1  }
0xa: {  	[smem:$0x3FAB] =	sst s2  }
0xb: {  	[smem:$0x3FAC] =	sst s3  }
0xc: {  	[smem:$0x3FAD] =	sst s4  }
0xd: {  	[smem:$0x3FAE] =	sst s5  }
0xe: {  	[smem:$0x3FAF] =	sst s6  }
0xf: {  	[smem:$0x3FB0] =	sst s7  }
0x10: {  	[smem:$0x3FB1] =	sst s8  }
0x11: {  	[smem:$0x3FB2] =	sst s9;
	s0 =	simm.s32 @!p0 $0x0  }
0x12: {  	s1 =	sld [smem:$0x3F98];
	s0 =	simm.s32 @p0 $0x1  }
0x13: {  	[smem:$0x3FB3] =	sst s0;
	s0 =	simm.s32 @!p1 $0x0  }
0x14: {  	s2 =	sld [smem:$0x3F97];
	s0 =	simm.s32 @p1 $0x1  }
0x15: {  	[smem:$0x3FB4] =	sst s0;
	s0 =	simm.s32 @!p2 $0x0  }
0x16: {  	s3 =	sld [smem:$0x3FDB];
	s0 =	simm.s32 @p2 $0x1  }
0x17: {  	s4 =	simm.s32 $0x1BF5;
	[smem:$0x3FB6] =	sst s0  }
0x18: {  	s0 =	sld [smem:$0x3F99];
	_ =	swait.ge [sflag:s4], $0x0  }
0x19: {  	s7 =	sld [smem:$0x3F9A]  }
0x1a: {  	s8 =	sadd.s32 $0xFFFFE003, lr  }
0x1b: {  	s9 =	sadd.s32 $0xFFFFFEF7, lr;
	s5 =	simm.s32 $0xFFFFFFFF;
	p2 =	slt.u32 s8, $0xFFFFF086  }
0x1c: {  	p1 =	slt.u32 s9, $0xF7A;
	s5 =	simm.s32 @!p2 $0x0  }
0x1d: {  	s5 =	simm.s32 @p1 $0x1;
	p0 =	seq.s32 s7, s2  }
0x1e: {  	s7 =	smul.u32 @!p0 $0xF7A, s2;
	p2 =	seq.s32 @!p0 s5, $0x0  }
0x1f: {  	s9 =	smul.u32 $0xF7A, s1;
	s8 =	simm.s32 @!p0 $0x1BF5;
	p2 =	por !p2, p0  }
0x20: {  	[sflag:s8] =	ssyncset.s32 @!p0 $0xFFFFF086;
	s6 =	sadd.s32 @!p0 s3, s7;
	s7 =	simm.s32 @!p0 $0x108  }
0x21: {  	s3 =	sadd.s32 s3, s9;
	s6 =	sadd.s32 @!p0 $0x88, s6;
	s7 =	simm.s32 @p2 $0x1082  }
0x22: {  	[simem:s7], [sflag:s8] =	dma.local @!p0 [hbm:s6], $0xF7A  }
0x23: {  	s9 =	sor.u32 $0xD0000000, s2;
	s6 =	simm.s32 $0x108;
	_ =	swait.ge @!p0 [sflag:s8], $0x0  }
0x24: {  	s3 =	sadd.s32 $0x88, s3;
	s6 =	simm.s32 @!p1 $0x1082;
	[sflag:s4] =	ssyncset.s32 $0xFFFFF086  }
0x25: {  	[simem:s6], [sflag:s4] =	dma.local [hbm:s3], $0xF7A  }
0x26: {  	[smem:$0x3F9A] =	sst s1;
	(tag) =	ssettag s2;
	_ =	strace s9  }
0x27: {  	s1 =	sld [smem:$0x3FAA]  }
0x28: {  	s2 =	sld [smem:$0x3FAB]  }
0x29: {  	s4 =	sld [smem:$0x3FAD]  }
0x2a: {  	p0 =	seq.s32 s5, $0x0;
	s5 =	sld [smem:$0x3FAE]  }
0x2b: {  	s6 =	sld [smem:$0x3FAF]  }
0x2c: {  	s7 =	sld [smem:$0x3FB0]  }
0x2d: {  	s3 =	simm.s32 $0x108;
	s8 =	sld [smem:$0x3FB1]  }
0x2e: {  	s3 =	simm.s32 @!p0 $0x1082;
	s9 =	sld [smem:$0x3FB2]  }
0x2f: {  	lr =	sadd.s32 s0, s3;
	s0 =	sld [smem:$0x3FA9]  }
0x30: {  	s3 =	sld [smem:$0x3FAC]  }
0x31: {  	[smem:$0x3FB5] =	sst s10  }
0x32: {  	s10 =	sld [smem:$0x3FB3];
	_ =	sdelay $0x3  }
0x33: {  	p0 =	seq.s32 s10, $0x1;
	s10 =	sld [smem:$0x3FB5];
	_ =	sdelay $0x3  }
0x34: {  	[smem:$0x3FB5] =	sst s10  }
0x35: {  	s10 =	sld [smem:$0x3FB4];
	_ =	sdelay $0x3  }
0x36: {  	p1 =	seq.s32 s10, $0x1;
	s10 =	sld [smem:$0x3FB5];
	_ =	sdelay $0x3  }
0x37: {  	[smem:$0x3FB5] =	sst s10  }
0x38: {  	s10 =	sld [smem:$0x3FB6]  }
0x39: {  	_ = 	snop;
	(pc) =	sbr.ind lr, $3  }
0x3a: {  	_ = 	snop  }
0x3b: {  	_ = 	snop  }
0x3c: {  	p2 =	seq.s32 s10, $0x1;
	s10 =	sld [smem:$0x3FB5]  }
0x3d: {  	_ =	shalt  }
0x3e: {  	_ =	shalt  }
0x3f: {  	_ =	shalt  }
0x40: {  	_ =	shalt  }
0x41: {  	_ =	shalt  }
0x42: {  	_ =	shalt  }
0x43: {  	_ =	shalt  }
0x44: {  	_ =	shalt  }
0x45: {  	_ =	shalt  }
0x46: {  	_ =	shalt  }
0x47: {  	_ =	shalt  }
0x48: {  	_ =	shalt  }
0x49: {  	_ =	shalt  }
0x4a: {  	_ =	shalt  }
0x4b: {  	_ =	shalt  }
0x4c: {  	_ =	shalt  }
0x4d: {  	_ =	shalt  }
0x4e: {  	_ =	shalt  }
0x4f: {  	_ =	shalt  }
0x50: {  	_ =	shalt  }
0x51: {  	_ =	shalt  }
0x52: {  	_ =	shalt  }
0x53: {  	_ =	shalt  }
0x54: {  	_ =	shalt  }
0x55: {  	_ =	shalt  }
0x56: {  	_ =	shalt  }
0x57: {  	_ =	shalt  }
0x58: {  	_ =	shalt  }
0x59: {  	_ =	shalt  }
0x5a: {  	_ =	shalt  }
0x5b: {  	_ =	shalt  }
0x5c: {  	_ =	shalt  }
0x5d: {  	_ =	shalt  }
0x5e: {  	_ =	shalt  }
0x5f: {  	_ =	shalt  }
0x60: {  	_ =	shalt  }
0x61: {  	_ =	shalt  }
0x62: {  	_ =	shalt  }
0x63: {  	_ =	shalt  }
0x64: {  	_ =	shalt  }
0x65: {  	_ =	shalt  }
0x66: {  	_ =	shalt  }
0x67: {  	_ =	shalt  }
0x68: {  	_ =	shalt  }
0x69: {  	_ =	shalt  }
0x6a: {  	_ =	shalt  }
0x6b: {  	_ =	shalt  }
0x6c: {  	_ =	shalt  }
0x6d: {  	_ =	shalt  }
0x6e: {  	_ =	shalt  }
0x6f: {  	_ =	shalt  }
0x70: {  	_ =	shalt  }
0x71: {  	_ =	shalt  }
0x72: {  	_ =	shalt  }
0x73: {  	_ =	shalt  }
0x74: {  	_ =	shalt  }
0x75: {  	_ =	shalt  }
0x76: {  	_ =	shalt  }
0x77: {  	_ =	shalt  }
0x78: {  	_ =	shalt  }
0x79: {  	_ =	shalt  }
0x7a: {  	_ =	shalt  }
0x7b: {  	_ =	shalt  }
0x7c: {  	_ =	shalt  }
0x7d: {  	_ =	shalt  }
0x7e: {  	_ =	shalt  }
0x7f: {  	_ =	shalt  }
0x80: {  	_ =	shalt  }
0x81: {  	_ =	shalt  }
0x82: {  	_ =	shalt  }
0x83: {  	_ =	shalt  }
0x84: {  	_ =	shalt  }
0x85: {  	_ =	shalt  }
0x86: {  	_ =	shalt  }
0x87: {  	_ =	shalt  }
.Lfunc_end0:
.L_simem_size_0:
called_computation_lowered:
.L_overlay_start_0:
0x88: {  	s2 =	sld [smem:$0x3FD9]  }
0x89: {  	s3 =	sld [smem:$0x3FFE];
	_ =	sdelay $0x1  }
0x8a: {  	s1 =	srdreg.scid  }
0x8b: {  	s0 =	sand.u32 $0x1, s1  }
0x8c: {  	s14 =	sshll.u32 s0, $0xA;
	s2 =	sadd.s32 s3, s2  }
0x8d: {  	s2 =	sadd.s32 s2, s14  }
0x8e: {  	[smem:$0x3FC1] =	sst s2  }
0x8f: {  	_ = 	snop  }
0x90: {  	s2 =	sld [smem:$0x3FD0];
	_ =	sdelay $0x2  }
0x91: {  	s4 =	simm.s32 $0xA;
	s5 =	simm.s32 $0x10;
	s15 =	sld [smem:$0x3FC3]  }
0x92: {  	[smem:s5], [sflag:s4] =	dma.local [hbm:s2], $0x1  }
0x93: {  	_ =	swait.eq [sflag:s4], $0x1  }
0x94: {  	s16 =	sld [smem:$0x11];
	[sflag:s4] =	ssyncset.done $0x0  }
0x95: {  	s17 =	sld [smem:$0x12];
	[sflag:s4] =	ssyncadd.s32 $0xFFFFFFFF  }
0x96: {  	s18 =	sld [smem:$0x13];
	(tm) =	ssettm $0x1  }
0x97: {  	s6 =	sld [smem:$0x3FFB];
	_ =	sdelay $0x3  }
0x98: {  	_ =	strace s6  }
0x99: {  	s6 =	sld [smem:$0x3FFC];
	_ =	sdelay $0x3  }
0x9a: {  	_ =	strace s6  }
0x9b: {  	s6 =	sld [smem:$0x3FFD];
	_ =	sdelay $0x3  }
0x9c: {  	_ =	strace s6  }
0x9d: {  	_ =	strace $0x8FFFFFFF  }
0x9e: {  	s19 =	sld [smem:$0x3FDB];
	_ =	sdelay $0x1  }
0x9f: {  	s7 =	simm.s32 $_scs_section_size  }
0xa0: {  	s8 =	simm.s32 $_size__tile_overlayer_lowered;
	s9 =	simm.s32 $_tile_overlayer_lowered  }
0xa1: {  	s22 =	simm.s32 $0x1BFF;
	s21 =	sshll.u32 s9, $0x1;
	s6 =	sadd.s32 s7, s19  }
0xa2: {  	s10 =	simm.s32 $0x0;
	s20 =	sshll.u32 s8, $0x1;
	s8 =	sadd.s32 s21, s6  }
0xa3: {  	[timem:s10], [sflag:s22] =	dma.local [hbm:s8], s20  }
0xa4: {  	_ =	swait.ge [sflag:s22], s20  }
0xa5: {  	s7 =	ssub.s32 $0x0, s20;
	[sflag:s22] =	ssyncset.done $0x0  }
0xa6: {  	[sflag:s22] =	ssyncadd.s32 s7;
	_ =	sdelay $0x1  }
0xa7: {  	s23 =	simm.s32 $0x1B8B  }
0xa8: {  	_ =	swait.ge [sflag:s23], $0x1  }
0xa9: {  	[sflag:s23] =	ssyncset.done $0x0  }
0xaa: {  	s25 =	simm.s32 $0x1B8E;
	s24 =	sld [smem:$0x3FFE];
	[sflag:s23] =	ssyncadd.s32 $0xFFFFFFFF  }
0xab: {  	s26 =	simm.s32 $execute0_lowered;
	[smem:$0x3FD2] =	sst s25  }
0xac: {  	s8 =	sshll.u32 s26, $0x1;
	_ =	strace $0x80000046;
	[dreg:$0x1] =	wrdreg $0xFFFFFFFF  }
0xad: {  	s28 =	simm.s32 $_size_execute0_lowered;
	s6 =	sadd.s32 s6, s8;
	[dreg:$0x0] =	wrdreg $0x0  }
0xae: {  	s8 =	sshll.u32 s28, $0x1;
	[dreg:$0x2] =	wrdreg s6  }
0xaf: {  	[dreg:$0x3] =	wrdreg s8  }
0xb0: {  	[dreg:$0x4] =	wrdreg $0xC0  }
0xb1: {  	_ =	task [dreg:s10], $0x5FFFF  }
0xb2: {  	[dreg:$0x1] =	wrdreg $0xFFFFFFFF  }
0xb3: {  	[dreg:$0x0] =	wrdreg $0x60  }
0xb4: {  	[dreg:$0x2] =	wrdreg s24  }
0xb5: {  	[dreg:$0x3] =	wrdreg s15  }
0xb6: {  	[dreg:$0x4] =	wrdreg s16  }
0xb7: {  	[dreg:$0x5] =	wrdreg s17  }
0xb8: {  	[dreg:$0x6] =	wrdreg s18  }
0xb9: {  	[dreg:$0x7] =	wrdreg $0x9  }
0xba: {  	_ =	task.clear_ibuf [dreg:s10], $0x8FFFF;
	_ =	strace $0x90000046  }
0xbb: {  	s29 =	simm.s32 $0x9;
	_ =	strace $0x80000048  }
0xbc: {  	_ =	swait.ge [sflag:s29], $0x1  }
0xbd: {  	[sflag:s29] =	ssyncadd.s32 $0xFFFFFFFF  }
0xbe: {  	_ =	strace $0x90000048  }
0xbf: {  	_ =	sfence  }
0xc0: {  	s30 =	sld [smem:$0x0];
	_ =	sdelay $0x2  }
0xc1: {  	s31 =	sshll.u32 s1, $0xD;
	s1 =	sshrl.u32 s1, $0x2  }
0xc2: {  	s3 =	sand.u32 $0x4000, s31;
	s1 =	sadd.s32 s1, s30  }
0xc3: {  	s0 =	sor.u32 s3, s0;
	s1 =	sshll.u32 s1, $0x11  }
0xc4: {  	s0 =	sor.u32 s1, s0  }
0xc5: {  	s0 =	sadd.s32 $0x8F2B, s0  }
0xc6: {  	[sflag:s0] =	ssyncadd.remote.s32 $0x1  }
0xc7: {  	_ =	sfence.sel $0xFFFF  }
0xc8: {  	[dreg:$0x0] =	wrdreg $0xFFFFFFFF;
	(pc) =	sbr.abs _section_cstart, $3  }
0xc9: {  	[dreg:$0x1] =	wrdreg $0xFFFFFFFF  }
0xca: {  	_ =	task.clear_ibuf [dreg:s10], $0x2FFFF;
	_ =	strace $0x9FFFFFFF  }
0xcb: {  	(tm) =	ssettm $0x7FFFFFFF  }
tec
execute0_lowered:
.L_overlay_start_1:
0x0: {  	(tag) =	ssettag $0x1  }
0x1: {  	s7 =	rddreg [dreg:$0x0]  }
0x2: {  	s1 =	rddreg [dreg:$0x1]  }
0x3: {  	s2 =	rddreg [dreg:$0x2]  }
0x4: {  	s3 =	rddreg [dreg:$0x3]  }
0x5: {  	s4 =	rddreg [dreg:$0x4];
	s5 =	simm.s32 $0x0  }
0x6: {  	[smem:$0x7FF] =	sst s5  }
0x7: {  	s0 =	rddreg [dreg:$0x5];
	v0 =	vimm.f32 $9.000000000e+00;
	_ =	strace $0x80000047  }
0x8: {  	(erf) = vrcp.f32 v0  }
0x9: {  	s6 =	srdreg.scid  }
0xa: {  	s8 =	sand.u32 $0x1, s6;
	s6 =	stileid.u32  }
0xb: {  	s9 =	sor.u32 s6, s8  }
0xc: {  	p0 =	sne.s32 s9, $0x0  }
.Ltmp0:
0xd: {  	_ = 	snop;
	(pc) =	sbr.rel @p0 .LBB2_7-.Ltmp0, $2  }
0xe: {  	_ =	sdelay $0x2  }
0xf: {  	v0 =	vpop (erf)  }
0x10: {  	s8 =	ssub.s32 $0x2, s8  }
0x11: {  	s7 =	sadd.s32 $0xE00, s7;
	s10 =	simm.s32 $0x1;
	s11 =	simm.s32 $0x1100  }
0x12: {  	s12 =	simm.s32 $0x1180;
	s13 =	simm.s32 $0x3;
	s14 =	simm.s32 $0x2  }
0x13: {  	s15 =	simm.s32 $0x4;
	s16 =	simm.s32 $0x5;
	s9 =	sshrl.u32 s8, $0x1  }
0x14: {  	vm0 =	vmmov $0xff;
	v1 =	vlaneseq.u32;
	s17 =	simm.s32 $0x0;
	s8 =	ssub.s32 s8, s9;
	s9 =	simm.s32 $0x80  }
.LBB2_2:
0x15: {  	[tilespmem:s5], [sflag:$0x1] =	stream.linear.gather [hbm4b:s7+s5], $0x80, $0x38;
	[tilespmem:$0x1200] =	vst v63  }
0x16: {  	_ = 	snop  }
0x17: {  	[tilespmem:s9], [sflag:$0x2] =	stream.linear.gather [hbm4b:s1+s5], $0x1000, $0x38;
	[tilespmem:$0x1200] =	vst v63  }
0x18: {  	_ =	swait.ge [sflag:s10], $0x80  }
0x19: {  	[sflag:s10] =	ssyncset.done $0x0  }
0x1a: {  	[sflag:s10] =	ssyncadd.s32 $0xFFFFFF80  }
0x1b: {  	v2 =	vld [tilespmem:$0x0];
	_ =	sdelay $0x4  }
0x1c: {  	v3 =	vnsel vm0, $0x0, v2  }
0x1d: {  	v3 =	vxor.u32 $0x80000000, v3  }
0x1e: {  	(xrf0) =	vmax.scan.msk.u32 $0xffff, v3;
	_ =	sdelay $0x5  }
0x1f: {  	v3, _, _ =	vpop (xrf0)  }
0x20: {  	(v2sf) =	vpush v3, $0xF  }
0x21: {  	v3 =	vsel vm0, $0x0, v2  }
0x22: {  	v3 =	vxor.u32 $0x80000000, v3  }
0x23: {  	(xrf0) =	vmax.scan.msk.u32 $0xffff, v3;
	_ =	sdelay $0x5  }
0x24: {  	v3, _, _ =	vpop (xrf0)  }
0x25: {  	(v2sf) =	vpush v3, $0xF;
	_ =	sdelay $0x4  }
0x26: {  	s18 =	spop (v2sf)  }
0x27: {  	s19 =	sxor.u32 $0x80000000, s18  }
0x28: {  	s20 =	sand.u32 $0xFFFFFFF8, s19  }
0x29: {  	p0 =	slt.s32 s20, $0xF4230  }
0x2a: {  	s20 =	simm.s32 @!p0 $0xF4230  }
0x2b: {  	s29 =	sshrl.u32 s20, $0x3  }
0x2c: {  	s21 =	sadd.s32 s2, s29  }
0x2d: {  	[tilespmem:s11], [sflag:$0x3] =	stream.linear.gather [hbm4b:s21+s5], $0x10, $0x38;
	[tilespmem:$0x1200] =	vst v63  }
0x2e: {  	s18 =	sadd.s32 s3, s29  }
0x2f: {  	v2 =	vadd.s32 $0x1, v2;
	[tilespmem:s12], [sflag:$0x4] =	stream.linear.gather [hbm4b:s18+s5], $0x10, $0x38;
	[tilespmem:$0x1200] =	vst v63  }
0x30: {  	s22 =	spop (v2sf);
	[tilespmem:$0x0] =	vst v2  }
0x31: {  	[hbm4b:s4+s5] =	stream.linear.scatter [tilespmem:s5], [sflag:$0x1], $0x80, $0x38;
	[tilespmem:$0x1200] =	vst v63  }
0x32: {  	_ =	swait.ge [sflag:s13], $0x10  }
0x33: {  	[sflag:s13] =	ssyncset.done $0x0  }
0x34: {  	[sflag:s13] =	ssyncadd.s32 $0xFFFFFFF0  }
0x35: {  	v2 =	vld [tilespmem:$0x1100];
	_ =	sdelay $0x1  }
0x36: {  	s19 =	ssub.s32 s19, s20  }
0x37: {  	v3 =	vmov s19  }
0x38: {  	vm1 =	veq.s32 v3, v1;
	s30 =	sxor.u32 $0x80000000, s22  }
0x39: {  	v2 =	vsel vm1, s30, v2  }
0x3a: {  	[tilespmem:$0x1100] =	vst v2  }
0x3b: {  	[hbm4b:s21+s5] =	stream.linear.scatter [tilespmem:s11], [sflag:$0x3], $0x10, $0x38;
	[tilespmem:$0x1200] =	vst v63  }
0x3c: {  	_ =	swait.ge [sflag:s14], $0x1000  }
0x3d: {  	[sflag:s14] =	ssyncset.done $0x0  }
0x3e: {  	[sflag:s14] =	ssyncadd.s32 $0xFFFFF000  }
0x3f: {  	s31 =	simm.s32 $0xC0;
	v3 =	vld [tilespmem:$0x80]  }
0x40: {  	v4 =	vld [tilespmem:s31+$0xFFFFFFD0]  }
0x41: {  	v6 =	vld [tilespmem:s31+$0xFFFFFFE0]  }
0x42: {  	v7 =	vld [tilespmem:s31+$0xFFFFFFF0]  }
0x43: {  	v5 =	vld [tilespmem:s31+$0x0]  }
0x44: {  	v2 =	vld [tilespmem:s31+$0x10]  }
0x45: {  	v4 =	vmax.f32 v3, v4;
	v3 =	vld [tilespmem:s31+$0x20]  }
0x46: {  	v6 =	vmax.f32 v4, v6;
	v4 =	vld [tilespmem:s31+$0x30]  }
0x47: {  	s20 =	simm.s32 $0x140;
	s19 =	simm.s32 $0x1;
	v7 =	vmax.f32 v6, v7;
	v6 =	vld [tilespmem:s31+$0x40]  }
.LBB2_3:
0x48: {  	v8 =	vld [tilespmem:s20+$0xFFFFFFD0];
	s19 =	sadd.s32 $0x8, s19;
	v5 =	vmax.f32 v7, v5  }
0x49: {  	v7 =	vld [tilespmem:s20+$0xFFFFFFE0];
	p0 =	slt.u32 s19, $0xF1;
	v2 =	vmax.f32 v5, v2  }
0x4a: {  	v9 =	vld [tilespmem:s20+$0xFFFFFFF0];
	v2 =	vmax.f32 v2, v3  }
.Ltmp1:
0x4b: {  	v5 =	vld [tilespmem:s20+$0x0];
	v3 =	vmax.f32 v2, v4;
	(pc) =	sbr.rel @p0 .LBB2_3-.Ltmp1, $4  }
0x4c: {  	v2 =	vld [tilespmem:s20+$0x10];
	v3 =	vmax.f32 v3, v6  }
0x4d: {  	v4 =	vmax.f32 v3, v8;
	v3 =	vld [tilespmem:s20+$0x20]  }
0x4e: {  	v6 =	vmax.f32 v4, v7;
	v4 =	vld [tilespmem:s20+$0x30]  }
0x4f: {  	v7 =	vmax.f32 v6, v9;
	v6 =	vld [tilespmem:s20+$0x40];
	s20 =	sadd.s32 $0x80, s20  }
0x50: {  	v5 =	vmax.f32 v7, v5;
	v7 =	vld [tilespmem:$0x1010]  }
0x51: {  	v2 =	vmax.f32 v5, v2;
	v5 =	vld [tilespmem:$0x1020]  }
0x52: {  	v2 =	vmax.f32 v2, v3;
	v3 =	vld [tilespmem:$0x1030]  }
0x53: {  	v2 =	vmax.f32 v2, v4;
	v4 =	vld [tilespmem:$0x1040]  }
0x54: {  	v2 =	vmax.f32 v2, v6;
	v6 =	vld [tilespmem:$0x1050]  }
0x55: {  	v2 =	vmax.f32 v2, v7;
	v7 =	vld [tilespmem:$0x1060]  }
0x56: {  	v2 =	vmax.f32 v2, v5;
	v5 =	vld [tilespmem:$0x1070]  }
0x57: {  	v2 =	vmax.f32 v2, v3  }
0x58: {  	v2 =	vmax.f32 v2, v4  }
0x59: {  	v2 =	vmax.f32 v2, v6  }
0x5a: {  	v2 =	vmax.f32 v2, v7  }
0x5b: {  	v2 =	vmax.f32 v2, v5  }
0x5c: {  	(xrf0) =	vmax.scan.msk.f32 $0xffff, v2;
	_ =	sdelay $0x2  }
0x5d: {  	s19 =	simm.s32 $0xC0  }
0x5e: {  	v3 =	vld [tilespmem:s19+$0xFFFFFFC0];
	_ =	sdelay $0x1  }
0x5f: {  	v4 =	vld [tilespmem:s19+$0xFFFFFFD0];
	v2, _, _ =	vpop (xrf0)  }
0x60: {  	v2 =	vbroadcast v2, $0xF  }
0x61: {  	v5 =	vld [tilespmem:s19+$0xFFFFFFE0]  }
0x62: {  	v3 =	vsub.f32 v3, v2  }
0x63: {  	v6 =	vld [tilespmem:s19+$0xFFFFFFF0]  }
0x64: {  	v4 =	vsub.f32 v4, v2;
	v3 =	vmul.f32 $1.442695020e+00, v3;
	_ =	sdelay $0x1  }
0x65: {  	v7 =	vld [tilespmem:s19+$0x0];
	v5 =	vsub.f32 v5, v2;
	v4 =	vmul.f32 $1.442695020e+00, v4;
	(erf) = vpow2.f32 v3;
	_ =	sdelay $0x1  }
0x66: {  	v6 =	vsub.f32 v6, v2;
	v5 =	vmul.f32 $1.442695020e+00, v5;
	v3 =	vld [tilespmem:s19+$0x10];
	(erf) = vpow2.f32 v4  }
0x67: {  	v8 =	vld [tilespmem:s19+$0x20]  }
0x68: {  	v6 =	vmul.f32 $1.442695020e+00, v6;
	(erf) = vpow2.f32 v5  }
0x69: {  	v4 =	vsub.f32 v7, v2  }
0x6a: {  	(erf) = vpow2.f32 v6;
	v6 =	vld [tilespmem:s19+$0x30]  }
0x6b: {  	s20 =	simm.s32 $0x140;
	v4 =	vmul.f32 $1.442695020e+00, v4;
	v3 =	vsub.f32 v3, v2  }
0x6c: {  	v7 =	vld [tilespmem:s20+$0xFFFFFFC0];
	v5 =	vsub.f32 v8, v2  }
0x6d: {  	v9 =	vld [tilespmem:s20+$0xFFFFFFD0];
	(erf) = vpow2.f32 v4;
	v4 =	vimm.f32 $0.0e+00;
	v3 =	vmul.f32 $1.442695020e+00, v3;
	v8 =	vpop (erf)  }
0x6e: {  	v4 =	vadd.f32 v8, v4  }
0x6f: {  	v5 =	vmul.f32 $1.442695020e+00, v5;
	v6 =	vsub.f32 v6, v2;
	(erf) = vpow2.f32 v3;
	v3 =	vld [tilespmem:s20+$0xFFFFFFE0];
	v8 =	vpop (erf)  }
0x70: {  	v4 =	vadd.f32 v8, v4  }
0x71: {  	v7 =	vsub.f32 v7, v2;
	(erf) = vpow2.f32 v5;
	v5 =	vld [tilespmem:s20+$0xFFFFFFF0];
	v6 =	vmul.f32 $1.442695020e+00, v6;
	v8 =	vpop (erf)  }
0x72: {  	v4 =	vadd.f32 v8, v4;
	v8 =	vsub.f32 v9, v2  }
0x73: {  	v10 =	vld [tilespmem:s20+$0x0];
	v7 =	vmul.f32 $1.442695020e+00, v7;
	v9 =	vpop (erf);
	(erf) = vpow2.f32 v6  }
0x74: {  	v3 =	vsub.f32 v3, v2;
	v6 =	vmul.f32 $1.442695020e+00, v8  }
0x75: {  	v11 =	vld [tilespmem:s20+$0x10];
	(erf) = vpow2.f32 v7;
	v4 =	vadd.f32 v9, v4  }
0x76: {  	v8 =	vsub.f32 v5, v2;
	v5 =	vpop (erf);
	v9 =	vmul.f32 $1.442695020e+00, v3  }
0x77: {  	v3 =	vld [tilespmem:s20+$0x20];
	v12 =	vadd.f32 v5, v4;
	(erf) = vpow2.f32 v6  }
0x78: {  	v5 =	vsub.f32 v10, v2;
	v6 =	vpop (erf)  }
0x79: {  	v7 =	vmul.f32 $1.442695020e+00, v8;
	v4 =	vld [tilespmem:s20+$0x30];
	(erf) = vpow2.f32 v9;
	v8 =	vadd.f32 v6, v12  }
0x7a: {  	s19 =	simm.s32 $0x8;
	s20 =	simm.s32 $0x1C0;
	v6 =	vsub.f32 v11, v2;
	v9 =	vpop (erf)  }
.LBB2_5:
0x7b: {  	v10 =	vld [tilespmem:s20+$0xFFFFFFC0];
	v5 =	vmul.f32 $1.442695020e+00, v5;
	(erf) = vpow2.f32 v7;
	v11 =	vadd.f32 v9, v8  }
0x7c: {  	s19 =	sadd.s32 $0x8, s19;
	v3 =	vsub.f32 v3, v2;
	v8 =	vpop (erf)  }
0x7d: {  	p0 =	slt.u32 s19, $0xF8;
	v6 =	vmul.f32 $1.442695020e+00, v6;
	v9 =	vld [tilespmem:s20+$0xFFFFFFD0];
	(erf) = vpow2.f32 v5;
	v5 =	vadd.f32 v8, v11  }
0x7e: {  	v4 =	vsub.f32 v4, v2;
	v7 =	vpop (erf)  }
0x7f: {  	v3 =	vmul.f32 $1.442695020e+00, v3;
	v8 =	vld [tilespmem:s20+$0xFFFFFFE0];
	v5 =	vadd.f32 v7, v5;
	(erf) = vpow2.f32 v6  }
0x80: {  	v6 =	vsub.f32 v10, v2;
	v7 =	vpop (erf)  }
0x81: {  	v4 =	vmul.f32 $1.442695020e+00, v4;
	v10 =	vld [tilespmem:s20+$0xFFFFFFF0];
	v5 =	vadd.f32 v7, v5;
	(erf) = vpow2.f32 v3  }
0x82: {  	v3 =	vsub.f32 v9, v2;
	v7 =	vpop (erf)  }
0x83: {  	v6 =	vmul.f32 $1.442695020e+00, v6;
	v9 =	vld [tilespmem:s20+$0x0];
	v5 =	vadd.f32 v7, v5;
	(erf) = vpow2.f32 v4  }
0x84: {  	v4 =	vsub.f32 v8, v2;
	v7 =	vpop (erf)  }
0x85: {  	v8 =	vmul.f32 $1.442695020e+00, v3;
	v11 =	vld [tilespmem:s20+$0x10];
	(erf) = vpow2.f32 v6;
	v5 =	vadd.f32 v7, v5  }
.Ltmp2:
0x86: {  	v6 =	vsub.f32 v10, v2;
	v7 =	vpop (erf);
	(pc) =	sbr.rel @p0 .LBB2_5-.Ltmp2, $4  }
0x87: {  	v10 =	vmul.f32 $1.442695020e+00, v4;
	v3 =	vld [tilespmem:s20+$0x20];
	(erf) = vpow2.f32 v8;
	v8 =	vadd.f32 v7, v5  }
0x88: {  	v5 =	vsub.f32 v9, v2;
	v9 =	vpop (erf)  }
0x89: {  	v7 =	vmul.f32 $1.442695020e+00, v6;
	v4 =	vld [tilespmem:s20+$0x30];
	(erf) = vpow2.f32 v10;
	v8 =	vadd.f32 v9, v8  }
0x8a: {  	s20 =	sadd.s32 $0x80, s20;
	v6 =	vsub.f32 v11, v2;
	v9 =	vpop (erf)  }
0x8b: {  	v5 =	vmul.f32 $1.442695020e+00, v5;
	(erf) = vpow2.f32 v7;
	v51 =	vadd.f32 v9, v8  }
0x8c: {  	v3 =	vsub.f32 v3, v2;
	v52 =	vpop (erf)  }
0x8d: {  	v6 =	vmul.f32 $1.442695020e+00, v6;
	(erf) = vpow2.f32 v5;
	v53 =	vadd.f32 v52, v51  }
0x8e: {  	v54 =	vpop (erf);
	v3 =	vmul.f32 $1.442695020e+00, v3  }
0x8f: {  	v4 =	vsub.f32 v4, v2;
	(erf) = vpow2.f32 v6;
	v5 =	vadd.f32 v54, v53  }
0x90: {  	v55 =	vpop (erf)  }
0x91: {  	v4 =	vmul.f32 $1.442695020e+00, v4;
	(erf) = vpow2.f32 v3;
	v5 =	vadd.f32 v55, v5  }
0x92: {  	v3 =	vpop (erf)  }
0x93: {  	(erf) = vpow2.f32 v4;
	v3 =	vadd.f32 v3, v5  }
0x94: {  	v56 =	vpop (erf)  }
0x95: {  	v3 =	vadd.f32 v56, v3  }
0x96: {  	v57 =	vpop (erf)  }
0x97: {  	v3 =	vadd.f32 v57, v3  }
0x98: {  	v58 =	vpop (erf)  }
0x99: {  	v3 =	vadd.f32 v58, v3  }
0x9a: {  	v59 =	vpop (erf)  }
0x9b: {  	v3 =	vadd.f32 v59, v3  }
0x9c: {  	v60 =	vpop (erf)  }
0x9d: {  	v3 =	vadd.f32 v60, v3;
	_ =	sdelay $0x1  }
0x9e: {  	(xrf2) =	vadd.scan.msk.f32 $0xffff, v3;
	_ =	sdelay $0x9  }
0x9f: {  	v3, _, _ =	vpop (xrf2)  }
0xa0: {  	v3 =	vbroadcast v3, $0xF;
	_ =	sdelay $0x1  }
0xa1: {  	v61 =	vand.u32 $0x7FFFFF, v3  }
0xa2: {  	v4 =	vor.u32 $0x3F800000, v61  }
0xa3: {  	v62 =	vadd.f32 $1.000000000e+00, v4;
	_ =	sdelay $0x1  }
0xa4: {  	(erf) = vrcp.f32 v62;
	_ =	sdelay $0x7  }
0xa5: {  	v4 =	vadd.f32 $-1.000000000e+00, v4  }
0xa6: {  	v5 =	vpop (erf)  }
0xa7: {  	v4 =	vmul.f32 v5, v4;
	_ =	sdelay $0x1  }
0xa8: {  	v5 =	vmul.f32 v4, v4;
	_ =	sdelay $0x1  }
0xa9: {  	v63 =	vmul.f32 v5, v0;
	_ =	sdelay $0x1  }
0xaa: {  	v6 =	vadd.f32 $1.428571490e-01, v63;
	_ =	sdelay $0x1  }
0xab: {  	v6 =	vmul.f32 v6, v5;
	_ =	sdelay $0x1  }
0xac: {  	v6 =	vadd.f32 $2.000000030e-01, v6;
	_ =	sdelay $0x1  }
0xad: {  	v6 =	vmul.f32 v6, v5;
	_ =	sdelay $0x1  }
0xae: {  	v6 =	vadd.f32 $3.333333430e-01, v6;
	_ =	sdelay $0x1  }
0xaf: {  	v3 =	vshra.s32 v3, $0x17;
	v5 =	vmul.f32 v6, v5  }
0xb0: {  	v3 =	vadd.s32 $0xFFFFFF81, v3  }
0xb1: {  	v3 =	vcvt.s32.f32 v3;
	v4 =	vadd.f32 v4, v4;
	v5 =	vadd.f32 $1.000000000e+00, v5;
	_ =	sdelay $0x1  }
0xb2: {  	v3 =	vmul.f32 $6.931471820e-01, v3;
	v4 =	vmul.f32 v5, v4;
	_ =	sdelay $0x1  }
0xb3: {  	v3 =	vadd.f32 v4, v3;
	_ =	sdelay $0x1  }
0xb4: {  	v2 =	vadd.f32 v3, v2;
	_ =	sdelay $0x1  }
0xb5: {  	[tilespmem:$0x1080] =	vst v2  }
0xb6: {  	_ =	swait.ge [sflag:s15], $0x10  }
0xb7: {  	[sflag:s15] =	ssyncset.done $0x0  }
0xb8: {  	[sflag:s15] =	ssyncadd.s32 $0xFFFFFFF0  }
0xb9: {  	v3 =	vld [tilespmem:$0x1180];
	_ =	sdelay $0x4  }
0xba: {  	v2 =	vsel vm1, v2, v3  }
0xbb: {  	[tilespmem:$0x1180] =	vst v2  }
0xbc: {  	[hbm4b:s18+s5] =	stream.linear.scatter [tilespmem:s12], [sflag:$0x5], $0x10, $0x38;
	[tilespmem:$0x1200] =	vst v63  }
0xbd: {  	_ =	swait.ge [sflag:s10], $0x80  }
0xbe: {  	[sflag:s10] =	ssyncset.done $0x0  }
0xbf: {  	s17 =	sadd.s32 $0x1, s17;
	[sflag:s10] =	ssyncadd.s32 $0xFFFFFF80  }
0xc0: {  	p0 =	sne.s32 s17, s8;
	_ =	swait.ge [sflag:s13], $0x10  }
.Ltmp3:
0xc1: {  	[sflag:s13] =	ssyncset.done $0x0;
	(pc) =	sbr.rel @p0 .LBB2_2-.Ltmp3, $4  }
0xc2: {  	[sflag:s13] =	ssyncadd.s32 $0xFFFFFFF0  }
0xc3: {  	_ =	swait.ge [sflag:s16], $0x10  }
0xc4: {  	[sflag:s16] =	ssyncset.done $0x0  }
0xc5: {  	[sflag:s16] =	ssyncadd.s32 $0xFFFFFFF0  }
.LBB2_7:
0xc6: {  	_ =	sfence.sel $0x180000  }
0xc7: {  	[bflag:$0x0] =	sbarrier.arrive $0xFFFF  }
0xc8: {  	p0 =	sne.s32 s6, $0x0;
	_ =	strace $0x90000047  }
0xc9: {  	s0 =	sadd.s32 @!p0 $0x100000, s0;
	[bflag:$0x2] =	sbarrier.arrive $0xFFFF  }
0xca: {  	[sflag:s0] =	ssyncadd.tile.s32 @!p0 $0x1;
	_ =	shalt  }
.Lfunc_end2:
_tile_overlayer_lowered:
.L_overlay_start_2:
0xcb: {  	(tag) =	ssettag $0x2  }
0xcc: {  	s0 =	rddreg [dreg:$0x0];
	s2 =	stileid.u32  }
0xcd: {  	s1 =	rddreg [dreg:$0x1];
	p0 =	sne.s32 s2, $0x0  }
0xce: {  	s3 =	rddreg [dreg:$0x2];
	[bflag:$0x3] =	sbarrier.arrive $0xFFFF;
	s2 =	simm.s32 @!p0 $0x1C06  }
0xcf: {  	[timem:s3], [sflag:s2] =	dma.local @!p0 [hbm:s0], s1  }
0xd0: {  	s0 =	simm.s32 @!p0 $0x6  }
0xd1: {  	_ =	swait.ge @!p0 [sflag:s0], s1  }
0xd2: {  	s1 =	ssub.s32 @!p0 $0x0, s1;
	[sflag:s0] =	ssyncset.done @!p0 $0x0  }
0xd3: {  	[sflag:s0] =	ssyncadd.s32 @!p0 s1  }
0xd4: {  	[bflag:$0x3] =	sbarrier.arrive $0xFFFF  }
0xd5: {  	_ =	shalt  }

</sc_bundles>
